<compile_context>
chip_gen: v7x
topology: tpu7x:2x2x1
jax: 0.10.2.dev20260603
libtpu: 0.0.44.dev20260713+nightly
codegen_flags: <defaults>
</compile_context>

<pallas_src>
import functools

import jax
import jax.numpy as jnp
from jax import lax
from jax.experimental import pallas as pl
from jax.experimental.pallas import tpu as pltpu
from jax.experimental.pallas import tpu_sc as plsc

_NC = 2
_NS = 16
_NW = _NC * _NS
_K = 128
_NB = 3


@functools.lru_cache(maxsize=None)
def _make_lookup(NB_ROWS, T, D, V):
    B = NB_ROWS * T
    assert B % (_NW * _K) == 0 and NB_ROWS % _K == 0 and V % _NS == 0
    n_chunks = B // (_NW * _K)
    n_bcol = NB_ROWS // _K
    mesh = plsc.VectorSubcoreMesh(core_axis_name="c", subcore_axis_name="s")

    @functools.partial(
        pl.kernel,
        mesh=mesh,
        out_type=jax.ShapeDtypeStruct((NB_ROWS, T * D), jnp.float32),
        scratch_types=[
            pltpu.VMEM((n_chunks, _K), jnp.int32),
            pltpu.VMEM((_NB, _K, D), jnp.float32),
            pltpu.VMEM_SHARED((V, D), jnp.float32),
            pltpu.SemaphoreType.DMA,
            pltpu.SemaphoreType.DMA,
        ],
    )
    def lookup(idx_hbm, table_hbm, out_hbm, idx_v, rows_v, table_sh, gsem, ssem):
        sid = lax.axis_index("s")
        wid = sid * _NC + lax.axis_index("c")
        g0 = wid * n_chunks
        rows_per_sub = table_hbm.shape[0] // _NS
        pltpu.sync_copy(
            table_hbm.at[pl.ds(sid * rows_per_sub, rows_per_sub)],
            table_sh.at[pl.ds(sid * rows_per_sub, rows_per_sub)],
        )
        pltpu.sync_copy(idx_hbm.at[wid], idx_v)
        plsc.subcore_barrier()

        def out_block(c):
            g = g0 + c
            t = g // n_bcol
            b0 = (g % n_bcol) * _K
            return out_hbm.at[
                pl.ds(pl.multiple_of(b0, _K), _K),
                pl.ds(pl.multiple_of(t * D, D), D),
            ]

        def start_gather(c):
            pltpu.async_copy(table_sh.at[idx_v.at[c]], rows_v.at[c % _NB], gsem)

        def wait_gather(c):
            pltpu.make_async_copy(
                table_sh.at[idx_v.at[c]], rows_v.at[c % _NB], gsem
            ).wait()

        def start_scatter(c):
            pltpu.async_copy(rows_v.at[c % _NB], out_block(c), ssem)

        def wait_scatter(c):
            pltpu.make_async_copy(rows_v.at[c % _NB], out_block(c), ssem).wait()

        for p in range(_NB - 1):
            start_gather(p)

        def body(c, _):
            wait_gather(c)
            start_scatter(c)

            @pl.when(c + _NB - 1 < n_chunks)
            def _():
                @pl.when(c >= 1)
                def _():
                    wait_scatter(c - 1)

                start_gather(c + _NB - 1)

            return 0

        lax.fori_loop(0, n_chunks, body, 0, unroll=False)
        for p in range(_NB):
            wait_scatter(n_chunks - _NB + p)

    return lookup


def kernel(pos, pos_embeddings):
    nb_rows, t = pos.shape
    d = pos_embeddings.shape[1]
    idx = pos.T.reshape(_NW, (nb_rows * t) // (_NW * _K), _K)
    return _make_lookup(nb_rows, t, d, pos_embeddings.shape[0])(idx, pos_embeddings)

# --- scband reference (transcript-rebuilt; emitter-appended) ---
"""Pipeline reference for scband-sinusoidal-pos-encoder-42073499632288 (READ-ONLY COPY).

The authoritative reference and input builder live on the scoring server;
editing this copy changes nothing except your own understanding.
"""

import jax, jax.numpy as jnp
import numpy as np

MAX_POSITIONS = 8192
MODEL_DIM = 128

def _build_table(max_positions, model_dim):
    constants = jnp.exp(-jnp.arange(0, model_dim, 2, dtype=jnp.float32) * (jnp.log(jnp.float32(10000.0)) / model_dim))
    pos = jnp.arange(0, max_positions, dtype=jnp.float32)[:, None]
    angles = pos * constants[None, :]  # (max_positions, model_dim//2)
    table = jnp.zeros((max_positions, model_dim), dtype=jnp.float32)
    table = table.at[:, ::2].set(jnp.sin(angles))
    table = table.at[:, 1::2].set(jnp.cos(angles))
    return table

def setup_inputs(seed: int = 0) -> dict:
    key = jax.random.key(seed)
    k_pos = jax.random.fold_in(key, 0)
    pos = jax.random.randint(k_pos, (1024, 200), 0, MAX_POSITIONS, dtype=jnp.int64 if jax.config.jax_enable_x64 else jnp.int32).astype(jnp.int32)
    pos_embeddings = _build_table(MAX_POSITIONS, MODEL_DIM)
    return {"pos": pos, "pos_embeddings": pos_embeddings}

def reference(pos, pos_embeddings):
    # gather: emb = pos_embeddings[pos] -> (B, T, model_dim)
    emb = jnp.take(pos_embeddings, pos, axis=0)
    # flatten_output=True
    emb = emb.reshape(pos.shape[0], -1)
    return emb

if __name__ == "__main__":
    import jax
    _d = setup_inputs()
    print(jax.jit(kernel)(*tuple(_d.values())))

</pallas_src>

<mosaic_0001>
#map = affine_map<(d0, d1) -> (0, 0, 0)>
#map1 = affine_map<(d0, d1) -> (0, 0)>
module attributes {stable_mosaic.version = 14 : i64} {
  func.func @lookup(%arg0: i32, %arg1: i32, %arg2: memref<32x50x128xi32, #tpu.memory_space<hbm>>, %arg3: memref<8192x128xf32, #tpu.memory_space<hbm>>, %arg4: memref<1024x25600xf32, #tpu.memory_space<hbm>>, %arg5: memref<50x128xi32, #tpu.memory_space<vmem>>, %arg6: memref<3x128x128xf32, #tpu.memory_space<vmem>>, %arg7: memref<8192x128xf32, #tpu.memory_space<vmem_shared>>, %arg8: memref<!tpu.dma_semaphore, #tpu.memory_space<semaphore_mem>>, %arg9: memref<!tpu.dma_semaphore, #tpu.memory_space<semaphore_mem>>) attributes {dimension_semantics = [#tpu.dimension_semantics<core_parallel>, #tpu.dimension_semantics<subcore_parallel>], iteration_bounds = array<i64: 2, 16>, scalar_prefetch = 0 : i64, scratch_operands = 5 : i64, tpu.core_type = #tpu.core_type<sc_vector_subcore>, window_params = [{transform_indices = #map}, {transform_indices = #map1}, {transform_indices = #map1}]} {
    %mul3A = arith.constant 2 : i32
    %mul3A_0 = arith.muli %arg1, %mul3A : i32
    %add3A = arith.addi %mul3A_0, %arg0 : i32
    %mul3A_1 = arith.constant 50 : i32
    %mul3A_2 = arith.muli %add3A, %mul3A_1 : i32
    %mul3A_3 = arith.constant 512 : i32
    %mul3A_4 = arith.muli %arg1, %mul3A_3 : i32
    %mul3A_5 = arith.constant 512 : i32
    %mul3A_6 = arith.muli %arg1, %mul3A_5 : i32
    "tpu.region"() ({
      %run_scoped3A = tpu.sem_alloc : memref<!tpu.dma_semaphore, #tpu.memory_space<semaphore_mem>>
      %dma_start3A_201 = arith.constant 0 : i32
      %dma_start3A_202 = tpu.memref_slice %arg7[%mul3A_6, %dma_start3A_201] : memref<8192x128xf32, #tpu.memory_space<vmem_shared>> -> memref<512x128xf32, #tpu.memory_space<vmem_shared>>
      %dma_start3A_203 = arith.constant 0 : i32
      %dma_start3A_204 = tpu.memref_slice %arg3[%mul3A_4, %dma_start3A_203] : memref<8192x128xf32, #tpu.memory_space<hbm>> -> memref<512x128xf32, #tpu.memory_space<hbm>>
      tpu.enqueue_dma source(%dma_start3A_204 : memref<512x128xf32, #tpu.memory_space<hbm>>) target(%dma_start3A_202 : memref<512x128xf32, #tpu.memory_space<vmem_shared>>) target_semaphore(%run_scoped3A : memref<!tpu.dma_semaphore, #tpu.memory_space<semaphore_mem>>)
      %dma_wait3A_205 = arith.constant 0 : i32
      %dma_wait3A_206 = tpu.memref_slice %arg7[%mul3A_6, %dma_wait3A_205] : memref<8192x128xf32, #tpu.memory_space<vmem_shared>> -> memref<512x128xf32, #tpu.memory_space<vmem_shared>>
      %dma_wait3A_207 = arith.constant 0 : i32
      %dma_wait3A_208 = tpu.memref_slice %arg3[%mul3A_4, %dma_wait3A_207] : memref<8192x128xf32, #tpu.memory_space<hbm>> -> memref<512x128xf32, #tpu.memory_space<hbm>>
      tpu.wait_dma2 semaphore(%run_scoped3A : memref<!tpu.dma_semaphore, #tpu.memory_space<semaphore_mem>>) src(%dma_wait3A_208 : memref<512x128xf32, #tpu.memory_space<hbm>>) dst(%dma_wait3A_206 : memref<512x128xf32, #tpu.memory_space<vmem_shared>>)
      tpu.yield
    }) : () -> ()
    "tpu.region"() ({
      %run_scoped3A = tpu.sem_alloc : memref<!tpu.dma_semaphore, #tpu.memory_space<semaphore_mem>>
      %dma_start3A_201 = arith.constant 0 : i32
      %dma_start3A_202 = arith.constant 0 : i32
      %dma_start3A_203 = tpu.memref_slice %arg2[%add3A, %dma_start3A_201, %dma_start3A_202] : memref<32x50x128xi32, #tpu.memory_space<hbm>> -> memref<1x50x128xi32, #tpu.memory_space<hbm>>
      %dma_start3A_204 = tpu.memref_squeeze %dma_start3A_203 : memref<1x50x128xi32, #tpu.memory_space<hbm>> -> memref<50x128xi32, #tpu.memory_space<hbm>>
      %dma_start3A_205 = arith.constant 0 : i32
      %dma_start3A_206 = arith.constant 0 : i32
      %dma_start3A_207 = tpu.memref_slice %arg2[%add3A, %dma_start3A_205, %dma_start3A_206] : memref<32x50x128xi32, #tpu.memory_space<hbm>> -> memref<1x50x128xi32, #tpu.memory_space<hbm>>
      %dma_start3A_208 = tpu.memref_squeeze %dma_start3A_207 : memref<1x50x128xi32, #tpu.memory_space<hbm>> -> memref<50x128xi32, #tpu.memory_space<hbm>>
      tpu.enqueue_dma source(%dma_start3A_208 : memref<50x128xi32, #tpu.memory_space<hbm>>) target(%arg5 : memref<50x128xi32, #tpu.memory_space<vmem>>) target_semaphore(%run_scoped3A : memref<!tpu.dma_semaphore, #tpu.memory_space<semaphore_mem>>)
      %dma_wait3A_209 = arith.constant 0 : i32
      %dma_wait3A_210 = arith.constant 0 : i32
      %dma_wait3A_211 = tpu.memref_slice %arg2[%add3A, %dma_wait3A_209, %dma_wait3A_210] : memref<32x50x128xi32, #tpu.memory_space<hbm>> -> memref<1x50x128xi32, #tpu.memory_space<hbm>>
      %dma_wait3A_212 = tpu.memref_squeeze %dma_wait3A_211 : memref<1x50x128xi32, #tpu.memory_space<hbm>> -> memref<50x128xi32, #tpu.memory_space<hbm>>
      %dma_wait3A_213 = arith.constant 0 : i32
      %dma_wait3A_214 = arith.constant 0 : i32
      %dma_wait3A_215 = tpu.memref_slice %arg2[%add3A, %dma_wait3A_213, %dma_wait3A_214] : memref<32x50x128xi32, #tpu.memory_space<hbm>> -> memref<1x50x128xi32, #tpu.memory_space<hbm>>
      %dma_wait3A_216 = tpu.memref_squeeze %dma_wait3A_215 : memref<1x50x128xi32, #tpu.memory_space<hbm>> -> memref<50x128xi32, #tpu.memory_space<hbm>>
      tpu.wait_dma2 semaphore(%run_scoped3A : memref<!tpu.dma_semaphore, #tpu.memory_space<semaphore_mem>>) src(%dma_wait3A_216 : memref<50x128xi32, #tpu.memory_space<hbm>>) dst(%arg5 : memref<50x128xi32, #tpu.memory_space<vmem>>)
      tpu.yield
    }) : () -> ()
    %barrier3A = arith.constant 0 : index
    tpu.barrier barrier_id(%barrier3A)
    %dma_start3A = arith.constant 0 : i32
    %dma_start3A_7 = arith.constant 0 : i32
    %dma_start3A_8 = arith.constant 0 : i32
    %dma_start3A_9 = arith.constant 0 : i32
    %dma_start3A_10 = tpu.memref_slice %arg6[%dma_start3A_7, %dma_start3A_8, %dma_start3A_9] : memref<3x128x128xf32, #tpu.memory_space<vmem>> -> memref<1x128x128xf32, #tpu.memory_space<vmem>>
    %dma_start3A_11 = tpu.memref_squeeze %dma_start3A_10 : memref<1x128x128xf32, #tpu.memory_space<vmem>> -> memref<128x128xf32, #tpu.memory_space<vmem>>
    %dma_start3A_12 = arith.constant 0 : i32
    %dma_start3A_13 = tpu.memref_slice %arg5[%dma_start3A, %dma_start3A_12] : memref<50x128xi32, #tpu.memory_space<vmem>> -> memref<1x128xi32, #tpu.memory_space<vmem>>
    %dma_start3A_14 = tpu.memref_squeeze %dma_start3A_13 : memref<1x128xi32, #tpu.memory_space<vmem>> -> memref<128xi32, #tpu.memory_space<vmem>>
    %dma_start3A_15 = arith.constant 0 : i32
    %dma_start3A_16 = arith.constant 0 : i32
    %dma_start3A_17 = tpu.memref_slice %arg7[%dma_start3A_15, %dma_start3A_16] : memref<8192x128xf32, #tpu.memory_space<vmem_shared>> -> memref<8192x128xf32, #tpu.memory_space<vmem_shared>>
    tpu.enqueue_indirect_dma source(%dma_start3A_17 : memref<8192x128xf32, #tpu.memory_space<vmem_shared>>) target(%dma_start3A_11 : memref<128x128xf32, #tpu.memory_space<vmem>>) offsets(%dma_start3A_14 : memref<128xi32, #tpu.memory_space<vmem>>) semaphore(%arg8 : memref<!tpu.dma_semaphore, #tpu.memory_space<semaphore_mem>>)
    %dma_start3A_18 = arith.constant 1 : i32
    %dma_start3A_19 = arith.constant 1 : i32
    %dma_start3A_20 = arith.constant 0 : i32
    %dma_start3A_21 = arith.constant 0 : i32
    %dma_start3A_22 = tpu.memref_slice %arg6[%dma_start3A_19, %dma_start3A_20, %dma_start3A_21] : memref<3x128x128xf32, #tpu.memory_space<vmem>> -> memref<1x128x128xf32, #tpu.memory_space<vmem>>
    %dma_start3A_23 = tpu.memref_squeeze %dma_start3A_22 : memref<1x128x128xf32, #tpu.memory_space<vmem>> -> memref<128x128xf32, #tpu.memory_space<vmem>>
    %dma_start3A_24 = arith.constant 0 : i32
    %dma_start3A_25 = tpu.memref_slice %arg5[%dma_start3A_18, %dma_start3A_24] : memref<50x128xi32, #tpu.memory_space<vmem>> -> memref<1x128xi32, #tpu.memory_space<vmem>>
    %dma_start3A_26 = tpu.memref_squeeze %dma_start3A_25 : memref<1x128xi32, #tpu.memory_space<vmem>> -> memref<128xi32, #tpu.memory_space<vmem>>
    %dma_start3A_27 = arith.constant 0 : i32
    %dma_start3A_28 = arith.constant 0 : i32
    %dma_start3A_29 = tpu.memref_slice %arg7[%dma_start3A_27, %dma_start3A_28] : memref<8192x128xf32, #tpu.memory_space<vmem_shared>> -> memref<8192x128xf32, #tpu.memory_space<vmem_shared>>
    tpu.enqueue_indirect_dma source(%dma_start3A_29 : memref<8192x128xf32, #tpu.memory_space<vmem_shared>>) target(%dma_start3A_23 : memref<128x128xf32, #tpu.memory_space<vmem>>) offsets(%dma_start3A_26 : memref<128xi32, #tpu.memory_space<vmem>>) semaphore(%arg8 : memref<!tpu.dma_semaphore, #tpu.memory_space<semaphore_mem>>)
    %scan3A = arith.constant 0 : i32
    %scan3A_30 = arith.constant 0 : i32
    %scan3A_31 = arith.constant 50 : i32
    %scan3A_32 = arith.addi %scan3A_30, %scan3A_31 : i32
    %scan3A_33 = arith.constant 1 : i32
    %scan3A_34 = scf.for %scan3A_201 = %scan3A_30 to %scan3A_32 step %scan3A_33 iter_args(%scan3A_202 = %scan3A) -> (i32)  : i32 {
      %jit3A_203 = arith.constant 3 : i32
      %eq3A_204 = arith.constant 0 : i32
      %eq3A_205 = arith.cmpi eq, %jit3A_203, %eq3A_204 : i32
      %jit3A_206 = arith.constant 1 : i32
      %select_n3A_207 = arith.select %eq3A_205, %jit3A_206, %jit3A_203 : i32
      %rem3A_208 = arith.remsi %scan3A_201, %select_n3A_207 : i32
      %ne3A_209 = arith.constant 0 : i32
      %ne3A_210 = arith.cmpi ne, %rem3A_208, %ne3A_209 : i32
      %lt3A_211 = arith.constant 0 : i32
      %lt3A_212 = arith.cmpi slt, %rem3A_208, %lt3A_211 : i32
      %lt3A_213 = arith.constant 0 : i32
      %lt3A_214 = arith.cmpi slt, %select_n3A_207, %lt3A_213 : i32
      %ne3A_215 = arith.xori %lt3A_212, %lt3A_214 : i1
      %and3A_216 = arith.andi %ne3A_215, %ne3A_210 : i1
      %add3A_217 = arith.addi %rem3A_208, %select_n3A_207 : i32
      %select_n3A_218 = arith.select %and3A_216, %add3A_217, %rem3A_208 : i32
      %dma_wait3A_219 = arith.constant 0 : i32
      %dma_wait3A_220 = arith.constant 0 : i32
      %dma_wait3A_221 = tpu.memref_slice %arg6[%select_n3A_218, %dma_wait3A_219, %dma_wait3A_220] : memref<3x128x128xf32, #tpu.memory_space<vmem>> -> memref<1x128x128xf32, #tpu.memory_space<vmem>>
      %dma_wait3A_222 = tpu.memref_squeeze %dma_wait3A_221 : memref<1x128x128xf32, #tpu.memory_space<vmem>> -> memref<128x128xf32, #tpu.memory_space<vmem>>
      %dma_wait3A_223 = arith.constant 0 : i32
      %dma_wait3A_224 = tpu.memref_slice %arg5[%scan3A_201, %dma_wait3A_223] : memref<50x128xi32, #tpu.memory_space<vmem>> -> memref<1x128xi32, #tpu.memory_space<vmem>>
      %dma_wait3A_225 = tpu.memref_squeeze %dma_wait3A_224 : memref<1x128xi32, #tpu.memory_space<vmem>> -> memref<128xi32, #tpu.memory_space<vmem>>
      %dma_wait3A_226 = arith.constant 0 : i32
      %dma_wait3A_227 = arith.constant 0 : i32
      %dma_wait3A_228 = tpu.memref_slice %arg7[%dma_wait3A_226, %dma_wait3A_227] : memref<8192x128xf32, #tpu.memory_space<vmem_shared>> -> memref<8192x128xf32, #tpu.memory_space<vmem_shared>>
      tpu.wait_indirect_dma semaphore(%arg8 : memref<!tpu.dma_semaphore, #tpu.memory_space<semaphore_mem>>) src(%dma_wait3A_228 : memref<8192x128xf32, #tpu.memory_space<vmem_shared>>) dst(%dma_wait3A_222 : memref<128x128xf32, #tpu.memory_space<vmem>>)
      %jit3A_229 = arith.constant 3 : i32
      %eq3A_230 = arith.constant 0 : i32
      %eq3A_231 = arith.cmpi eq, %jit3A_229, %eq3A_230 : i32
      %jit3A_232 = arith.constant 1 : i32
      %select_n3A_233 = arith.select %eq3A_231, %jit3A_232, %jit3A_229 : i32
      %rem3A_234 = arith.remsi %scan3A_201, %select_n3A_233 : i32
      %ne3A_235 = arith.constant 0 : i32
      %ne3A_236 = arith.cmpi ne, %rem3A_234, %ne3A_235 : i32
      %lt3A_237 = arith.constant 0 : i32
      %lt3A_238 = arith.cmpi slt, %rem3A_234, %lt3A_237 : i32
      %lt3A_239 = arith.constant 0 : i32
      %lt3A_240 = arith.cmpi slt, %select_n3A_233, %lt3A_239 : i32
      %ne3A_241 = arith.xori %lt3A_238, %lt3A_240 : i1
      %and3A_242 = arith.andi %ne3A_241, %ne3A_236 : i1
      %add3A_243 = arith.addi %rem3A_234, %select_n3A_233 : i32
      %select_n3A_244 = arith.select %and3A_242, %add3A_243, %rem3A_234 : i32
      %add3A_245 = arith.addi %mul3A_2, %scan3A_201 : i32
      %jit3A_246 = arith.constant 8 : i32
      %div3A_247 = arith.divsi %add3A_245, %jit3A_246 : i32
      %sign3A_248 = arith.constant 0 : i32
      %sign3A_249 = arith.cmpi sgt, %add3A_245, %sign3A_248 : i32
      %sign3A_250 = arith.extui %sign3A_249 : i1 to i32
      %sign3A_251 = arith.constant 0 : i32
      %sign3A_252 = arith.cmpi slt, %add3A_245, %sign3A_251 : i32
      %sign3A_253 = arith.extui %sign3A_252 : i1 to i32
      %sign3A_254 = arith.subi %sign3A_250, %sign3A_253 : i32
      %sign3A_255 = arith.constant 0 : i32
      %sign3A_256 = arith.cmpi sgt, %jit3A_246, %sign3A_255 : i32
      %sign3A_257 = arith.extui %sign3A_256 : i1 to i32
      %sign3A_258 = arith.constant 0 : i32
      %sign3A_259 = arith.cmpi slt, %jit3A_246, %sign3A_258 : i32
      %sign3A_260 = arith.extui %sign3A_259 : i1 to i32
      %sign3A_261 = arith.subi %sign3A_257, %sign3A_260 : i32
      %ne3A_262 = arith.cmpi ne, %sign3A_254, %sign3A_261 : i32
      %rem3A_263 = arith.remsi %add3A_245, %jit3A_246 : i32
      %ne3A_264 = arith.constant 0 : i32
      %ne3A_265 = arith.cmpi ne, %rem3A_263, %ne3A_264 : i32
      %and3A_266 = arith.andi %ne3A_262, %ne3A_265 : i1
      %sub3A_267 = arith.constant 1 : i32
      %sub3A_268 = arith.subi %div3A_247, %sub3A_267 : i32
      %select_n3A_269 = arith.select %and3A_266, %sub3A_268, %div3A_247 : i32
      %jit3A_270 = arith.constant 8 : i32
      %eq3A_271 = arith.constant 0 : i32
      %eq3A_272 = arith.cmpi eq, %jit3A_270, %eq3A_271 : i32
      %jit3A_273 = arith.constant 1 : i32
      %select_n3A_274 = arith.select %eq3A_272, %jit3A_273, %jit3A_270 : i32
      %rem3A_275 = arith.remsi %add3A_245, %select_n3A_274 : i32
      %ne3A_276 = arith.constant 0 : i32
      %ne3A_277 = arith.cmpi ne, %rem3A_275, %ne3A_276 : i32
      %lt3A_278 = arith.constant 0 : i32
      %lt3A_279 = arith.cmpi slt, %rem3A_275, %lt3A_278 : i32
      %lt3A_280 = arith.constant 0 : i32
      %lt3A_281 = arith.cmpi slt, %select_n3A_274, %lt3A_280 : i32
      %ne3A_282 = arith.xori %lt3A_279, %lt3A_281 : i1
      %and3A_283 = arith.andi %ne3A_282, %ne3A_277 : i1
      %add3A_284 = arith.addi %rem3A_275, %select_n3A_274 : i32
      %select_n3A_285 = arith.select %and3A_283, %add3A_284, %rem3A_275 : i32
      %mul3A_286 = arith.constant 128 : i32
      %mul3A_287 = arith.muli %select_n3A_285, %mul3A_286 : i32
      %multiple_of3A_288 = tpu.assume_multiple %mul3A_287, 128 : i32
      %mul3A_289 = arith.constant 128 : i32
      %mul3A_290 = arith.muli %select_n3A_269, %mul3A_289 : i32
      %multiple_of3A_291 = tpu.assume_multiple %mul3A_290, 128 : i32
      %dma_start3A_292 = arith.constant 0 : i32
      %dma_start3A_293 = arith.constant 0 : i32
      %dma_start3A_294 = tpu.memref_slice %arg6[%select_n3A_244, %dma_start3A_292, %dma_start3A_293] : memref<3x128x128xf32, #tpu.memory_space<vmem>> -> memref<1x128x128xf32, #tpu.memory_space<vmem>>
      %dma_start3A_295 = tpu.memref_squeeze %dma_start3A_294 : memref<1x128x128xf32, #tpu.memory_space<vmem>> -> memref<128x128xf32, #tpu.memory_space<vmem>>
      %dma_start3A_296 = tpu.memref_slice %arg4[%multiple_of3A_288, %multiple_of3A_291] : memref<1024x25600xf32, #tpu.memory_space<hbm>> -> memref<128x128xf32, #tpu.memory_space<hbm>>
      %dma_start3A_297 = tpu.memref_slice %arg4[%multiple_of3A_288, %multiple_of3A_291] : memref<1024x25600xf32, #tpu.memory_space<hbm>> -> memref<128x128xf32, #tpu.memory_space<hbm>>
      %dma_start3A_298 = arith.constant 0 : i32
      %dma_start3A_299 = arith.constant 0 : i32
      %dma_start3A_300 = tpu.memref_slice %arg6[%select_n3A_244, %dma_start3A_298, %dma_start3A_299] : memref<3x128x128xf32, #tpu.memory_space<vmem>> -> memref<1x128x128xf32, #tpu.memory_space<vmem>>
      %dma_start3A_301 = tpu.memref_squeeze %dma_start3A_300 : memref<1x128x128xf32, #tpu.memory_space<vmem>> -> memref<128x128xf32, #tpu.memory_space<vmem>>
      tpu.enqueue_dma source(%dma_start3A_301 : memref<128x128xf32, #tpu.memory_space<vmem>>) target(%dma_start3A_297 : memref<128x128xf32, #tpu.memory_space<hbm>>) target_semaphore(%arg9 : memref<!tpu.dma_semaphore, #tpu.memory_space<semaphore_mem>>)
      %add3A_302 = arith.constant 3 : i32
      %add3A_303 = arith.addi %scan3A_201, %add3A_302 : i32
      %sub3A_304 = arith.constant 1 : i32
      %sub3A_305 = arith.subi %add3A_303, %sub3A_304 : i32
      %lt3A_306 = arith.constant 50 : i32
      %lt3A_307 = arith.cmpi slt, %sub3A_305, %lt3A_306 : i32
      %convert_element_type3A = arith.extui %lt3A_307 : i1 to i32
      %cond3A = arith.constant 0 : i32
      %cond3A_308 = arith.cmpi ne, %convert_element_type3A, %cond3A : i32
      scf.if %cond3A_308 {
        %ge3A = arith.constant 1 : i32
        %ge3A_310 = arith.cmpi sge, %scan3A_201, %ge3A : i32
        %convert_element_type3A_311 = arith.extui %ge3A_310 : i1 to i32
        %cond3A_312 = arith.constant 0 : i32
        %cond3A_313 = arith.cmpi ne, %convert_element_type3A_311, %cond3A_312 : i32
        scf.if %cond3A_313 {
          %sub3A_344 = arith.constant 1 : i32
          %sub3A_345 = arith.subi %scan3A_201, %sub3A_344 : i32
          %jit3A_346 = arith.constant 3 : i32
          %eq3A_347 = arith.constant 0 : i32
          %eq3A_348 = arith.cmpi eq, %jit3A_346, %eq3A_347 : i32
          %jit3A_349 = arith.constant 1 : i32
          %select_n3A_350 = arith.select %eq3A_348, %jit3A_349, %jit3A_346 : i32
          %rem3A_351 = arith.remsi %sub3A_345, %select_n3A_350 : i32
          %ne3A_352 = arith.constant 0 : i32
          %ne3A_353 = arith.cmpi ne, %rem3A_351, %ne3A_352 : i32
          %lt3A_354 = arith.constant 0 : i32
          %lt3A_355 = arith.cmpi slt, %rem3A_351, %lt3A_354 : i32
          %lt3A_356 = arith.constant 0 : i32
          %lt3A_357 = arith.cmpi slt, %select_n3A_350, %lt3A_356 : i32
          %ne3A_358 = arith.xori %lt3A_355, %lt3A_357 : i1
          %and3A_359 = arith.andi %ne3A_358, %ne3A_353 : i1
          %add3A_360 = arith.addi %rem3A_351, %select_n3A_350 : i32
          %select_n3A_361 = arith.select %and3A_359, %add3A_360, %rem3A_351 : i32
          %add3A_362 = arith.addi %mul3A_2, %sub3A_345 : i32
          %jit3A_363 = arith.constant 8 : i32
          %div3A_364 = arith.divsi %add3A_362, %jit3A_363 : i32
          %sign3A_365 = arith.constant 0 : i32
          %sign3A_366 = arith.cmpi sgt, %add3A_362, %sign3A_365 : i32
          %sign3A_367 = arith.extui %sign3A_366 : i1 to i32
          %sign3A_368 = arith.constant 0 : i32
          %sign3A_369 = arith.cmpi slt, %add3A_362, %sign3A_368 : i32
          %sign3A_370 = arith.extui %sign3A_369 : i1 to i32
          %sign3A_371 = arith.subi %sign3A_367, %sign3A_370 : i32
          %sign3A_372 = arith.constant 0 : i32
          %sign3A_373 = arith.cmpi sgt, %jit3A_363, %sign3A_372 : i32
          %sign3A_374 = arith.extui %sign3A_373 : i1 to i32
          %sign3A_375 = arith.constant 0 : i32
          %sign3A_376 = arith.cmpi slt, %jit3A_363, %sign3A_375 : i32
          %sign3A_377 = arith.extui %sign3A_376 : i1 to i32
          %sign3A_378 = arith.subi %sign3A_374, %sign3A_377 : i32
          %ne3A_379 = arith.cmpi ne, %sign3A_371, %sign3A_378 : i32
          %rem3A_380 = arith.remsi %add3A_362, %jit3A_363 : i32
          %ne3A_381 = arith.constant 0 : i32
          %ne3A_382 = arith.cmpi ne, %rem3A_380, %ne3A_381 : i32
          %and3A_383 = arith.andi %ne3A_379, %ne3A_382 : i1
          %sub3A_384 = arith.constant 1 : i32
          %sub3A_385 = arith.subi %div3A_364, %sub3A_384 : i32
          %select_n3A_386 = arith.select %and3A_383, %sub3A_385, %div3A_364 : i32
          %jit3A_387 = arith.constant 8 : i32
          %eq3A_388 = arith.constant 0 : i32
          %eq3A_389 = arith.cmpi eq, %jit3A_387, %eq3A_388 : i32
          %jit3A_390 = arith.constant 1 : i32
          %select_n3A_391 = arith.select %eq3A_389, %jit3A_390, %jit3A_387 : i32
          %rem3A_392 = arith.remsi %add3A_362, %select_n3A_391 : i32
          %ne3A_393 = arith.constant 0 : i32
          %ne3A_394 = arith.cmpi ne, %rem3A_392, %ne3A_393 : i32
          %lt3A_395 = arith.constant 0 : i32
          %lt3A_396 = arith.cmpi slt, %rem3A_392, %lt3A_395 : i32
          %lt3A_397 = arith.constant 0 : i32
          %lt3A_398 = arith.cmpi slt, %select_n3A_391, %lt3A_397 : i32
          %ne3A_399 = arith.xori %lt3A_396, %lt3A_398 : i1
          %and3A_400 = arith.andi %ne3A_399, %ne3A_394 : i1
          %add3A_401 = arith.addi %rem3A_392, %select_n3A_391 : i32
          %select_n3A_402 = arith.select %and3A_400, %add3A_401, %rem3A_392 : i32
          %mul3A_403 = arith.constant 128 : i32
          %mul3A_404 = arith.muli %select_n3A_402, %mul3A_403 : i32
          %multiple_of3A_405 = tpu.assume_multiple %mul3A_404, 128 : i32
          %mul3A_406 = arith.constant 128 : i32
          %mul3A_407 = arith.muli %select_n3A_386, %mul3A_406 : i32
          %multiple_of3A_408 = tpu.assume_multiple %mul3A_407, 128 : i32
          %dma_wait3A_409 = arith.constant 0 : i32
          %dma_wait3A_410 = arith.constant 0 : i32
          %dma_wait3A_411 = tpu.memref_slice %arg6[%select_n3A_361, %dma_wait3A_409, %dma_wait3A_410] : memref<3x128x128xf32, #tpu.memory_space<vmem>> -> memref<1x128x128xf32, #tpu.memory_space<vmem>>
          %dma_wait3A_412 = tpu.memref_squeeze %dma_wait3A_411 : memref<1x128x128xf32, #tpu.memory_space<vmem>> -> memref<128x128xf32, #tpu.memory_space<vmem>>
          %dma_wait3A_413 = tpu.memref_slice %arg4[%multiple_of3A_405, %multiple_of3A_408] : memref<1024x25600xf32, #tpu.memory_space<hbm>> -> memref<128x128xf32, #tpu.memory_space<hbm>>
          %dma_wait3A_414 = tpu.memref_slice %arg4[%multiple_of3A_405, %multiple_of3A_408] : memref<1024x25600xf32, #tpu.memory_space<hbm>> -> memref<128x128xf32, #tpu.memory_space<hbm>>
          %dma_wait3A_415 = arith.constant 0 : i32
          %dma_wait3A_416 = arith.constant 0 : i32
          %dma_wait3A_417 = tpu.memref_slice %arg6[%select_n3A_361, %dma_wait3A_415, %dma_wait3A_416] : memref<3x128x128xf32, #tpu.memory_space<vmem>> -> memref<1x128x128xf32, #tpu.memory_space<vmem>>
          %dma_wait3A_418 = tpu.memref_squeeze %dma_wait3A_417 : memref<1x128x128xf32, #tpu.memory_space<vmem>> -> memref<128x128xf32, #tpu.memory_space<vmem>>
          tpu.wait_dma2 semaphore(%arg9 : memref<!tpu.dma_semaphore, #tpu.memory_space<semaphore_mem>>) src(%dma_wait3A_418 : memref<128x128xf32, #tpu.memory_space<vmem>>) dst(%dma_wait3A_414 : memref<128x128xf32, #tpu.memory_space<hbm>>)
        } else {
        }
        %add3A_314 = arith.constant 3 : i32
        %add3A_315 = arith.addi %scan3A_201, %add3A_314 : i32
        %sub3A_316 = arith.constant 1 : i32
        %sub3A_317 = arith.subi %add3A_315, %sub3A_316 : i32
        %jit3A_318 = arith.constant 3 : i32
        %eq3A_319 = arith.constant 0 : i32
        %eq3A_320 = arith.cmpi eq, %jit3A_318, %eq3A_319 : i32
        %jit3A_321 = arith.constant 1 : i32
        %select_n3A_322 = arith.select %eq3A_320, %jit3A_321, %jit3A_318 : i32
        %rem3A_323 = arith.remsi %sub3A_317, %select_n3A_322 : i32
        %ne3A_324 = arith.constant 0 : i32
        %ne3A_325 = arith.cmpi ne, %rem3A_323, %ne3A_324 : i32
        %lt3A_326 = arith.constant 0 : i32
        %lt3A_327 = arith.cmpi slt, %rem3A_323, %lt3A_326 : i32
        %lt3A_328 = arith.constant 0 : i32
        %lt3A_329 = arith.cmpi slt, %select_n3A_322, %lt3A_328 : i32
        %ne3A_330 = arith.xori %lt3A_327, %lt3A_329 : i1
        %and3A_331 = arith.andi %ne3A_330, %ne3A_325 : i1
        %add3A_332 = arith.addi %rem3A_323, %select_n3A_322 : i32
        %select_n3A_333 = arith.select %and3A_331, %add3A_332, %rem3A_323 : i32
        %dma_start3A_334 = arith.constant 0 : i32
        %dma_start3A_335 = arith.constant 0 : i32
        %dma_start3A_336 = tpu.memref_slice %arg6[%select_n3A_333, %dma_start3A_334, %dma_start3A_335] : memref<3x128x128xf32, #tpu.memory_space<vmem>> -> memref<1x128x128xf32, #tpu.memory_space<vmem>>
        %dma_start3A_337 = tpu.memref_squeeze %dma_start3A_336 : memref<1x128x128xf32, #tpu.memory_space<vmem>> -> memref<128x128xf32, #tpu.memory_space<vmem>>
        %dma_start3A_338 = arith.constant 0 : i32
        %dma_start3A_339 = tpu.memref_slice %arg5[%sub3A_317, %dma_start3A_338] : memref<50x128xi32, #tpu.memory_space<vmem>> -> memref<1x128xi32, #tpu.memory_space<vmem>>
        %dma_start3A_340 = tpu.memref_squeeze %dma_start3A_339 : memref<1x128xi32, #tpu.memory_space<vmem>> -> memref<128xi32, #tpu.memory_space<vmem>>
        %dma_start3A_341 = arith.constant 0 : i32
        %dma_start3A_342 = arith.constant 0 : i32
        %dma_start3A_343 = tpu.memref_slice %arg7[%dma_start3A_341, %dma_start3A_342] : memref<8192x128xf32, #tpu.memory_space<vmem_shared>> -> memref<8192x128xf32, #tpu.memory_space<vmem_shared>>
        tpu.enqueue_indirect_dma source(%dma_start3A_343 : memref<8192x128xf32, #tpu.memory_space<vmem_shared>>) target(%dma_start3A_337 : memref<128x128xf32, #tpu.memory_space<vmem>>) offsets(%dma_start3A_340 : memref<128xi32, #tpu.memory_space<vmem>>) semaphore(%arg8 : memref<!tpu.dma_semaphore, #tpu.memory_space<semaphore_mem>>)
      } else {
      }
      %scan3A_309 = arith.constant 0 : i32
      scf.yield %scan3A_309 : i32
    }
    %scan3A_35 = arith.constant 50 : i32
    %add3A_36 = arith.constant 47 : i32
    %add3A_37 = arith.addi %mul3A_2, %add3A_36 : i32
    %jit3A = arith.constant 8 : i32
    %div3A = arith.divsi %add3A_37, %jit3A : i32
    %sign3A = arith.constant 0 : i32
    %sign3A_38 = arith.cmpi sgt, %add3A_37, %sign3A : i32
    %sign3A_39 = arith.extui %sign3A_38 : i1 to i32
    %sign3A_40 = arith.constant 0 : i32
    %sign3A_41 = arith.cmpi slt, %add3A_37, %sign3A_40 : i32
    %sign3A_42 = arith.extui %sign3A_41 : i1 to i32
    %sign3A_43 = arith.subi %sign3A_39, %sign3A_42 : i32
    %sign3A_44 = arith.constant 0 : i32
    %sign3A_45 = arith.cmpi sgt, %jit3A, %sign3A_44 : i32
    %sign3A_46 = arith.extui %sign3A_45 : i1 to i32
    %sign3A_47 = arith.constant 0 : i32
    %sign3A_48 = arith.cmpi slt, %jit3A, %sign3A_47 : i32
    %sign3A_49 = arith.extui %sign3A_48 : i1 to i32
    %sign3A_50 = arith.subi %sign3A_46, %sign3A_49 : i32
    %ne3A = arith.cmpi ne, %sign3A_43, %sign3A_50 : i32
    %rem3A = arith.remsi %add3A_37, %jit3A : i32
    %ne3A_51 = arith.constant 0 : i32
    %ne3A_52 = arith.cmpi ne, %rem3A, %ne3A_51 : i32
    %and3A = arith.andi %ne3A, %ne3A_52 : i1
    %sub3A = arith.constant 1 : i32
    %sub3A_53 = arith.subi %div3A, %sub3A : i32
    %select_n3A = arith.select %and3A, %sub3A_53, %div3A : i32
    %jit3A_54 = arith.constant 8 : i32
    %eq3A = arith.constant 0 : i32
    %eq3A_55 = arith.cmpi eq, %jit3A_54, %eq3A : i32
    %jit3A_56 = arith.constant 1 : i32
    %select_n3A_57 = arith.select %eq3A_55, %jit3A_56, %jit3A_54 : i32
    %rem3A_58 = arith.remsi %add3A_37, %select_n3A_57 : i32
    %ne3A_59 = arith.constant 0 : i32
    %ne3A_60 = arith.cmpi ne, %rem3A_58, %ne3A_59 : i32
    %lt3A = arith.constant 0 : i32
    %lt3A_61 = arith.cmpi slt, %rem3A_58, %lt3A : i32
    %lt3A_62 = arith.constant 0 : i32
    %lt3A_63 = arith.cmpi slt, %select_n3A_57, %lt3A_62 : i32
    %ne3A_64 = arith.xori %lt3A_61, %lt3A_63 : i1
    %and3A_65 = arith.andi %ne3A_64, %ne3A_60 : i1
    %add3A_66 = arith.addi %rem3A_58, %select_n3A_57 : i32
    %select_n3A_67 = arith.select %and3A_65, %add3A_66, %rem3A_58 : i32
    %mul3A_68 = arith.constant 128 : i32
    %mul3A_69 = arith.muli %select_n3A_67, %mul3A_68 : i32
    %multiple_of3A = tpu.assume_multiple %mul3A_69, 128 : i32
    %mul3A_70 = arith.constant 128 : i32
    %mul3A_71 = arith.muli %select_n3A, %mul3A_70 : i32
    %multiple_of3A_72 = tpu.assume_multiple %mul3A_71, 128 : i32
    %dma_wait3A = arith.constant 2 : i32
    %dma_wait3A_73 = arith.constant 0 : i32
    %dma_wait3A_74 = arith.constant 0 : i32
    %dma_wait3A_75 = tpu.memref_slice %arg6[%dma_wait3A, %dma_wait3A_73, %dma_wait3A_74] : memref<3x128x128xf32, #tpu.memory_space<vmem>> -> memref<1x128x128xf32, #tpu.memory_space<vmem>>
    %dma_wait3A_76 = tpu.memref_squeeze %dma_wait3A_75 : memref<1x128x128xf32, #tpu.memory_space<vmem>> -> memref<128x128xf32, #tpu.memory_space<vmem>>
    %dma_wait3A_77 = tpu.memref_slice %arg4[%multiple_of3A, %multiple_of3A_72] : memref<1024x25600xf32, #tpu.memory_space<hbm>> -> memref<128x128xf32, #tpu.memory_space<hbm>>
    %dma_wait3A_78 = tpu.memref_slice %arg4[%multiple_of3A, %multiple_of3A_72] : memref<1024x25600xf32, #tpu.memory_space<hbm>> -> memref<128x128xf32, #tpu.memory_space<hbm>>
    %dma_wait3A_79 = arith.constant 0 : i32
    %dma_wait3A_80 = arith.constant 0 : i32
    %dma_wait3A_81 = tpu.memref_slice %arg6[%dma_wait3A, %dma_wait3A_79, %dma_wait3A_80] : memref<3x128x128xf32, #tpu.memory_space<vmem>> -> memref<1x128x128xf32, #tpu.memory_space<vmem>>
    %dma_wait3A_82 = tpu.memref_squeeze %dma_wait3A_81 : memref<1x128x128xf32, #tpu.memory_space<vmem>> -> memref<128x128xf32, #tpu.memory_space<vmem>>
    tpu.wait_dma2 semaphore(%arg9 : memref<!tpu.dma_semaphore, #tpu.memory_space<semaphore_mem>>) src(%dma_wait3A_82 : memref<128x128xf32, #tpu.memory_space<vmem>>) dst(%dma_wait3A_78 : memref<128x128xf32, #tpu.memory_space<hbm>>)
    %add3A_83 = arith.constant 48 : i32
    %add3A_84 = arith.addi %mul3A_2, %add3A_83 : i32
    %jit3A_85 = arith.constant 8 : i32
    %div3A_86 = arith.divsi %add3A_84, %jit3A_85 : i32
    %sign3A_87 = arith.constant 0 : i32
    %sign3A_88 = arith.cmpi sgt, %add3A_84, %sign3A_87 : i32
    %sign3A_89 = arith.extui %sign3A_88 : i1 to i32
    %sign3A_90 = arith.constant 0 : i32
    %sign3A_91 = arith.cmpi slt, %add3A_84, %sign3A_90 : i32
    %sign3A_92 = arith.extui %sign3A_91 : i1 to i32
    %sign3A_93 = arith.subi %sign3A_89, %sign3A_92 : i32
    %sign3A_94 = arith.constant 0 : i32
    %sign3A_95 = arith.cmpi sgt, %jit3A_85, %sign3A_94 : i32
    %sign3A_96 = arith.extui %sign3A_95 : i1 to i32
    %sign3A_97 = arith.constant 0 : i32
    %sign3A_98 = arith.cmpi slt, %jit3A_85, %sign3A_97 : i32
    %sign3A_99 = arith.extui %sign3A_98 : i1 to i32
    %sign3A_100 = arith.subi %sign3A_96, %sign3A_99 : i32
    %ne3A_101 = arith.cmpi ne, %sign3A_93, %sign3A_100 : i32
    %rem3A_102 = arith.remsi %add3A_84, %jit3A_85 : i32
    %ne3A_103 = arith.constant 0 : i32
    %ne3A_104 = arith.cmpi ne, %rem3A_102, %ne3A_103 : i32
    %and3A_105 = arith.andi %ne3A_101, %ne3A_104 : i1
    %sub3A_106 = arith.constant 1 : i32
    %sub3A_107 = arith.subi %div3A_86, %sub3A_106 : i32
    %select_n3A_108 = arith.select %and3A_105, %sub3A_107, %div3A_86 : i32
    %jit3A_109 = arith.constant 8 : i32
    %eq3A_110 = arith.constant 0 : i32
    %eq3A_111 = arith.cmpi eq, %jit3A_109, %eq3A_110 : i32
    %jit3A_112 = arith.constant 1 : i32
    %select_n3A_113 = arith.select %eq3A_111, %jit3A_112, %jit3A_109 : i32
    %rem3A_114 = arith.remsi %add3A_84, %select_n3A_113 : i32
    %ne3A_115 = arith.constant 0 : i32
    %ne3A_116 = arith.cmpi ne, %rem3A_114, %ne3A_115 : i32
    %lt3A_117 = arith.constant 0 : i32
    %lt3A_118 = arith.cmpi slt, %rem3A_114, %lt3A_117 : i32
    %lt3A_119 = arith.constant 0 : i32
    %lt3A_120 = arith.cmpi slt, %select_n3A_113, %lt3A_119 : i32
    %ne3A_121 = arith.xori %lt3A_118, %lt3A_120 : i1
    %and3A_122 = arith.andi %ne3A_121, %ne3A_116 : i1
    %add3A_123 = arith.addi %rem3A_114, %select_n3A_113 : i32
    %select_n3A_124 = arith.select %and3A_122, %add3A_123, %rem3A_114 : i32
    %mul3A_125 = arith.constant 128 : i32
    %mul3A_126 = arith.muli %select_n3A_124, %mul3A_125 : i32
    %multiple_of3A_127 = tpu.assume_multiple %mul3A_126, 128 : i32
    %mul3A_128 = arith.constant 128 : i32
    %mul3A_129 = arith.muli %select_n3A_108, %mul3A_128 : i32
    %multiple_of3A_130 = tpu.assume_multiple %mul3A_129, 128 : i32
    %dma_wait3A_131 = arith.constant 0 : i32
    %dma_wait3A_132 = arith.constant 0 : i32
    %dma_wait3A_133 = arith.constant 0 : i32
    %dma_wait3A_134 = tpu.memref_slice %arg6[%dma_wait3A_131, %dma_wait3A_132, %dma_wait3A_133] : memref<3x128x128xf32, #tpu.memory_space<vmem>> -> memref<1x128x128xf32, #tpu.memory_space<vmem>>
    %dma_wait3A_135 = tpu.memref_squeeze %dma_wait3A_134 : memref<1x128x128xf32, #tpu.memory_space<vmem>> -> memref<128x128xf32, #tpu.memory_space<vmem>>
    %dma_wait3A_136 = tpu.memref_slice %arg4[%multiple_of3A_127, %multiple_of3A_130] : memref<1024x25600xf32, #tpu.memory_space<hbm>> -> memref<128x128xf32, #tpu.memory_space<hbm>>
    %dma_wait3A_137 = tpu.memref_slice %arg4[%multiple_of3A_127, %multiple_of3A_130] : memref<1024x25600xf32, #tpu.memory_space<hbm>> -> memref<128x128xf32, #tpu.memory_space<hbm>>
    %dma_wait3A_138 = arith.constant 0 : i32
    %dma_wait3A_139 = arith.constant 0 : i32
    %dma_wait3A_140 = tpu.memref_slice %arg6[%dma_wait3A_131, %dma_wait3A_138, %dma_wait3A_139] : memref<3x128x128xf32, #tpu.memory_space<vmem>> -> memref<1x128x128xf32, #tpu.memory_space<vmem>>
    %dma_wait3A_141 = tpu.memref_squeeze %dma_wait3A_140 : memref<1x128x128xf32, #tpu.memory_space<vmem>> -> memref<128x128xf32, #tpu.memory_space<vmem>>
    tpu.wait_dma2 semaphore(%arg9 : memref<!tpu.dma_semaphore, #tpu.memory_space<semaphore_mem>>) src(%dma_wait3A_141 : memref<128x128xf32, #tpu.memory_space<vmem>>) dst(%dma_wait3A_137 : memref<128x128xf32, #tpu.memory_space<hbm>>)
    %add3A_142 = arith.constant 49 : i32
    %add3A_143 = arith.addi %mul3A_2, %add3A_142 : i32
    %jit3A_144 = arith.constant 8 : i32
    %div3A_145 = arith.divsi %add3A_143, %jit3A_144 : i32
    %sign3A_146 = arith.constant 0 : i32
    %sign3A_147 = arith.cmpi sgt, %add3A_143, %sign3A_146 : i32
    %sign3A_148 = arith.extui %sign3A_147 : i1 to i32
    %sign3A_149 = arith.constant 0 : i32
    %sign3A_150 = arith.cmpi slt, %add3A_143, %sign3A_149 : i32
    %sign3A_151 = arith.extui %sign3A_150 : i1 to i32
    %sign3A_152 = arith.subi %sign3A_148, %sign3A_151 : i32
    %sign3A_153 = arith.constant 0 : i32
    %sign3A_154 = arith.cmpi sgt, %jit3A_144, %sign3A_153 : i32
    %sign3A_155 = arith.extui %sign3A_154 : i1 to i32
    %sign3A_156 = arith.constant 0 : i32
    %sign3A_157 = arith.cmpi slt, %jit3A_144, %sign3A_156 : i32
    %sign3A_158 = arith.extui %sign3A_157 : i1 to i32
    %sign3A_159 = arith.subi %sign3A_155, %sign3A_158 : i32
    %ne3A_160 = arith.cmpi ne, %sign3A_152, %sign3A_159 : i32
    %rem3A_161 = arith.remsi %add3A_143, %jit3A_144 : i32
    %ne3A_162 = arith.constant 0 : i32
    %ne3A_163 = arith.cmpi ne, %rem3A_161, %ne3A_162 : i32
    %and3A_164 = arith.andi %ne3A_160, %ne3A_163 : i1
    %sub3A_165 = arith.constant 1 : i32
    %sub3A_166 = arith.subi %div3A_145, %sub3A_165 : i32
    %select_n3A_167 = arith.select %and3A_164, %sub3A_166, %div3A_145 : i32
    %jit3A_168 = arith.constant 8 : i32
    %eq3A_169 = arith.constant 0 : i32
    %eq3A_170 = arith.cmpi eq, %jit3A_168, %eq3A_169 : i32
    %jit3A_171 = arith.constant 1 : i32
    %select_n3A_172 = arith.select %eq3A_170, %jit3A_171, %jit3A_168 : i32
    %rem3A_173 = arith.remsi %add3A_143, %select_n3A_172 : i32
    %ne3A_174 = arith.constant 0 : i32
    %ne3A_175 = arith.cmpi ne, %rem3A_173, %ne3A_174 : i32
    %lt3A_176 = arith.constant 0 : i32
    %lt3A_177 = arith.cmpi slt, %rem3A_173, %lt3A_176 : i32
    %lt3A_178 = arith.constant 0 : i32
    %lt3A_179 = arith.cmpi slt, %select_n3A_172, %lt3A_178 : i32
    %ne3A_180 = arith.xori %lt3A_177, %lt3A_179 : i1
    %and3A_181 = arith.andi %ne3A_180, %ne3A_175 : i1
    %add3A_182 = arith.addi %rem3A_173, %select_n3A_172 : i32
    %select_n3A_183 = arith.select %and3A_181, %add3A_182, %rem3A_173 : i32
    %mul3A_184 = arith.constant 128 : i32
    %mul3A_185 = arith.muli %select_n3A_183, %mul3A_184 : i32
    %multiple_of3A_186 = tpu.assume_multiple %mul3A_185, 128 : i32
    %mul3A_187 = arith.constant 128 : i32
    %mul3A_188 = arith.muli %select_n3A_167, %mul3A_187 : i32
    %multiple_of3A_189 = tpu.assume_multiple %mul3A_188, 128 : i32
    %dma_wait3A_190 = arith.constant 1 : i32
    %dma_wait3A_191 = arith.constant 0 : i32
    %dma_wait3A_192 = arith.constant 0 : i32
    %dma_wait3A_193 = tpu.memref_slice %arg6[%dma_wait3A_190, %dma_wait3A_191, %dma_wait3A_192] : memref<3x128x128xf32, #tpu.memory_space<vmem>> -> memref<1x128x128xf32, #tpu.memory_space<vmem>>
    %dma_wait3A_194 = tpu.memref_squeeze %dma_wait3A_193 : memref<1x128x128xf32, #tpu.memory_space<vmem>> -> memref<128x128xf32, #tpu.memory_space<vmem>>
    %dma_wait3A_195 = tpu.memref_slice %arg4[%multiple_of3A_186, %multiple_of3A_189] : memref<1024x25600xf32, #tpu.memory_space<hbm>> -> memref<128x128xf32, #tpu.memory_space<hbm>>
    %dma_wait3A_196 = tpu.memref_slice %arg4[%multiple_of3A_186, %multiple_of3A_189] : memref<1024x25600xf32, #tpu.memory_space<hbm>> -> memref<128x128xf32, #tpu.memory_space<hbm>>
    %dma_wait3A_197 = arith.constant 0 : i32
    %dma_wait3A_198 = arith.constant 0 : i32
    %dma_wait3A_199 = tpu.memref_slice %arg6[%dma_wait3A_190, %dma_wait3A_197, %dma_wait3A_198] : memref<3x128x128xf32, #tpu.memory_space<vmem>> -> memref<1x128x128xf32, #tpu.memory_space<vmem>>
    %dma_wait3A_200 = tpu.memref_squeeze %dma_wait3A_199 : memref<1x128x128xf32, #tpu.memory_space<vmem>> -> memref<128x128xf32, #tpu.memory_space<vmem>>
    tpu.wait_dma2 semaphore(%arg9 : memref<!tpu.dma_semaphore, #tpu.memory_space<semaphore_mem>>) src(%dma_wait3A_200 : memref<128x128xf32, #tpu.memory_space<vmem>>) dst(%dma_wait3A_196 : memref<128x128xf32, #tpu.memory_space<hbm>>)
    return
  }
}

</mosaic_0001>

<sc_bundles>
// kernel: kernel.3.cloned.1.call-start
scs
__scs_entry_jumppad:
0x0: {  	(pc) =	sbr.rel $0x88, $3  }
0x1: {  	(tag) =	ssettag $0x0;
	lr =	simm.s32 $0x1  }
0x2: {  	[smem:$0x3F9F] =	sst lr;
	_ =	strace $0xD0000000  }
0x3: {  	_ = 	snop  }
0x4: {  	_ = 	snop  }
0x5: {  	_ = 	snop  }
0x6: {  	_ = 	snop  }
0x7: {  	_ = 	snop  }
__scs_overlays_trampoline_lowered:
0x8: {  	[smem:$0x3FAE] =	sst s0  }
0x9: {  	[smem:$0x3FAF] =	sst s1  }
0xa: {  	[smem:$0x3FB0] =	sst s2  }
0xb: {  	[smem:$0x3FB1] =	sst s3  }
0xc: {  	[smem:$0x3FB2] =	sst s4  }
0xd: {  	[smem:$0x3FB3] =	sst s5  }
0xe: {  	[smem:$0x3FB4] =	sst s6  }
0xf: {  	[smem:$0x3FB5] =	sst s7  }
0x10: {  	[smem:$0x3FB6] =	sst s8  }
0x11: {  	[smem:$0x3FB7] =	sst s9;
	s0 =	simm.s32 @!p0 $0x0  }
0x12: {  	s1 =	sld [smem:$0x3F9D];
	s0 =	simm.s32 @p0 $0x1  }
0x13: {  	[smem:$0x3FB8] =	sst s0;
	s0 =	simm.s32 @!p1 $0x0  }
0x14: {  	s2 =	sld [smem:$0x3F9C];
	s0 =	simm.s32 @p1 $0x1  }
0x15: {  	[smem:$0x3FB9] =	sst s0;
	s0 =	simm.s32 @!p2 $0x0  }
0x16: {  	s3 =	sld [smem:$0x3FDB];
	s0 =	simm.s32 @p2 $0x1  }
0x17: {  	s4 =	simm.s32 $0x1BF5;
	[smem:$0x3FBB] =	sst s0  }
0x18: {  	s0 =	sld [smem:$0x3F9E];
	_ =	swait.ge [sflag:s4], $0x0  }
0x19: {  	s7 =	sld [smem:$0x3F9F]  }
0x1a: {  	s8 =	sadd.s32 $0xFFFFE003, lr  }
0x1b: {  	s9 =	sadd.s32 $0xFFFFFEF7, lr;
	s5 =	simm.s32 $0xFFFFFFFF;
	p2 =	slt.u32 s8, $0xFFFFF086  }
0x1c: {  	p1 =	slt.u32 s9, $0xF7A;
	s5 =	simm.s32 @!p2 $0x0  }
0x1d: {  	s5 =	simm.s32 @p1 $0x1;
	p0 =	seq.s32 s7, s2  }
0x1e: {  	s7 =	smul.u32 @!p0 $0xF7A, s2;
	p2 =	seq.s32 @!p0 s5, $0x0  }
0x1f: {  	s9 =	smul.u32 $0xF7A, s1;
	s8 =	simm.s32 @!p0 $0x1BF5;
	p2 =	por !p2, p0  }
0x20: {  	[sflag:s8] =	ssyncset.s32 @!p0 $0xFFFFF086;
	s6 =	sadd.s32 @!p0 s3, s7;
	s7 =	simm.s32 @!p0 $0x108  }
0x21: {  	s3 =	sadd.s32 s3, s9;
	s6 =	sadd.s32 @!p0 $0x88, s6;
	s7 =	simm.s32 @p2 $0x1082  }
0x22: {  	[simem:s7], [sflag:s8] =	dma.local @!p0 [hbm:s6], $0xF7A  }
0x23: {  	s9 =	sor.u32 $0xD0000000, s2;
	s6 =	simm.s32 $0x108;
	_ =	swait.ge @!p0 [sflag:s8], $0x0  }
0x24: {  	s3 =	sadd.s32 $0x88, s3;
	s6 =	simm.s32 @!p1 $0x1082;
	[sflag:s4] =	ssyncset.s32 $0xFFFFF086  }
0x25: {  	[simem:s6], [sflag:s4] =	dma.local [hbm:s3], $0xF7A  }
0x26: {  	[smem:$0x3F9F] =	sst s1;
	(tag) =	ssettag s2;
	_ =	strace s9  }
0x27: {  	s1 =	sld [smem:$0x3FAF]  }
0x28: {  	s2 =	sld [smem:$0x3FB0]  }
0x29: {  	s4 =	sld [smem:$0x3FB2]  }
0x2a: {  	p0 =	seq.s32 s5, $0x0;
	s5 =	sld [smem:$0x3FB3]  }
0x2b: {  	s6 =	sld [smem:$0x3FB4]  }
0x2c: {  	s7 =	sld [smem:$0x3FB5]  }
0x2d: {  	s3 =	simm.s32 $0x108;
	s8 =	sld [smem:$0x3FB6]  }
0x2e: {  	s3 =	simm.s32 @!p0 $0x1082;
	s9 =	sld [smem:$0x3FB7]  }
0x2f: {  	lr =	sadd.s32 s0, s3;
	s0 =	sld [smem:$0x3FAE]  }
0x30: {  	s3 =	sld [smem:$0x3FB1]  }
0x31: {  	[smem:$0x3FBA] =	sst s10  }
0x32: {  	s10 =	sld [smem:$0x3FB8];
	_ =	sdelay $0x3  }
0x33: {  	p0 =	seq.s32 s10, $0x1;
	s10 =	sld [smem:$0x3FBA];
	_ =	sdelay $0x3  }
0x34: {  	[smem:$0x3FBA] =	sst s10  }
0x35: {  	s10 =	sld [smem:$0x3FB9];
	_ =	sdelay $0x3  }
0x36: {  	p1 =	seq.s32 s10, $0x1;
	s10 =	sld [smem:$0x3FBA];
	_ =	sdelay $0x3  }
0x37: {  	[smem:$0x3FBA] =	sst s10  }
0x38: {  	s10 =	sld [smem:$0x3FBB]  }
0x39: {  	_ = 	snop;
	(pc) =	sbr.ind lr, $3  }
0x3a: {  	_ = 	snop  }
0x3b: {  	_ = 	snop  }
0x3c: {  	p2 =	seq.s32 s10, $0x1;
	s10 =	sld [smem:$0x3FBA]  }
0x3d: {  	_ =	shalt  }
0x3e: {  	_ =	shalt  }
0x3f: {  	_ =	shalt  }
0x40: {  	_ =	shalt  }
0x41: {  	_ =	shalt  }
0x42: {  	_ =	shalt  }
0x43: {  	_ =	shalt  }
0x44: {  	_ =	shalt  }
0x45: {  	_ =	shalt  }
0x46: {  	_ =	shalt  }
0x47: {  	_ =	shalt  }
0x48: {  	_ =	shalt  }
0x49: {  	_ =	shalt  }
0x4a: {  	_ =	shalt  }
0x4b: {  	_ =	shalt  }
0x4c: {  	_ =	shalt  }
0x4d: {  	_ =	shalt  }
0x4e: {  	_ =	shalt  }
0x4f: {  	_ =	shalt  }
0x50: {  	_ =	shalt  }
0x51: {  	_ =	shalt  }
0x52: {  	_ =	shalt  }
0x53: {  	_ =	shalt  }
0x54: {  	_ =	shalt  }
0x55: {  	_ =	shalt  }
0x56: {  	_ =	shalt  }
0x57: {  	_ =	shalt  }
0x58: {  	_ =	shalt  }
0x59: {  	_ =	shalt  }
0x5a: {  	_ =	shalt  }
0x5b: {  	_ =	shalt  }
0x5c: {  	_ =	shalt  }
0x5d: {  	_ =	shalt  }
0x5e: {  	_ =	shalt  }
0x5f: {  	_ =	shalt  }
0x60: {  	_ =	shalt  }
0x61: {  	_ =	shalt  }
0x62: {  	_ =	shalt  }
0x63: {  	_ =	shalt  }
0x64: {  	_ =	shalt  }
0x65: {  	_ =	shalt  }
0x66: {  	_ =	shalt  }
0x67: {  	_ =	shalt  }
0x68: {  	_ =	shalt  }
0x69: {  	_ =	shalt  }
0x6a: {  	_ =	shalt  }
0x6b: {  	_ =	shalt  }
0x6c: {  	_ =	shalt  }
0x6d: {  	_ =	shalt  }
0x6e: {  	_ =	shalt  }
0x6f: {  	_ =	shalt  }
0x70: {  	_ =	shalt  }
0x71: {  	_ =	shalt  }
0x72: {  	_ =	shalt  }
0x73: {  	_ =	shalt  }
0x74: {  	_ =	shalt  }
0x75: {  	_ =	shalt  }
0x76: {  	_ =	shalt  }
0x77: {  	_ =	shalt  }
0x78: {  	_ =	shalt  }
0x79: {  	_ =	shalt  }
0x7a: {  	_ =	shalt  }
0x7b: {  	_ =	shalt  }
0x7c: {  	_ =	shalt  }
0x7d: {  	_ =	shalt  }
0x7e: {  	_ =	shalt  }
0x7f: {  	_ =	shalt  }
0x80: {  	_ =	shalt  }
0x81: {  	_ =	shalt  }
0x82: {  	_ =	shalt  }
0x83: {  	_ =	shalt  }
0x84: {  	_ =	shalt  }
0x85: {  	_ =	shalt  }
0x86: {  	_ =	shalt  }
0x87: {  	_ =	shalt  }
.Lfunc_end0:
.L_simem_size_0:
called_computation_lowered:
.L_overlay_start_0:
0x88: {  	s2 =	sld [smem:$0x3FD9]  }
0x89: {  	s3 =	sld [smem:$0x3FFE];
	_ =	sdelay $0x1  }
0x8a: {  	s1 =	srdreg.scid  }
0x8b: {  	s0 =	sand.u32 $0x1, s1  }
0x8c: {  	s17 =	sshll.u32 s0, $0xA;
	s2 =	sadd.s32 s3, s2  }
0x8d: {  	s2 =	sadd.s32 s2, s17  }
0x8e: {  	[smem:$0x3FC6] =	sst s2  }
0x8f: {  	_ = 	snop  }
0x90: {  	s2 =	sld [smem:$0x3FC8]  }
0x91: {  	s18 =	sld [smem:$0x3FD0];
	(tm) =	ssettm $0x1  }
0x92: {  	s4 =	sld [smem:$0x3FFB];
	_ =	sdelay $0x3  }
0x93: {  	_ =	strace s4  }
0x94: {  	s4 =	sld [smem:$0x3FFC];
	_ =	sdelay $0x3  }
0x95: {  	_ =	strace s4  }
0x96: {  	s4 =	sld [smem:$0x3FFD];
	_ =	sdelay $0x3  }
0x97: {  	_ =	strace s4  }
0x98: {  	_ =	strace $0x8FFFFFFF  }
0x99: {  	s19 =	sld [smem:$0x3FDB];
	_ =	sdelay $0x1  }
0x9a: {  	s5 =	simm.s32 $_scs_section_size  }
0x9b: {  	s6 =	simm.s32 $_size__tile_overlayer_lowered;
	s7 =	simm.s32 $_tile_overlayer_lowered  }
0x9c: {  	s22 =	simm.s32 $0x1BFF;
	s21 =	sshll.u32 s7, $0x1;
	s4 =	sadd.s32 s5, s19  }
0x9d: {  	s8 =	simm.s32 $0x0;
	s20 =	sshll.u32 s6, $0x1;
	s6 =	sadd.s32 s21, s4  }
0x9e: {  	[timem:s8], [sflag:s22] =	dma.local [hbm:s6], s20  }
0x9f: {  	_ =	swait.ge [sflag:s22], s20  }
0xa0: {  	s5 =	ssub.s32 $0x0, s20;
	[sflag:s22] =	ssyncset.done $0x0  }
0xa1: {  	[sflag:s22] =	ssyncadd.s32 s5;
	_ =	sdelay $0x1  }
0xa2: {  	s23 =	simm.s32 $0x1B8B  }
0xa3: {  	_ =	swait.ge [sflag:s23], $0x1  }
0xa4: {  	[sflag:s23] =	ssyncset.done $0x0  }
0xa5: {  	s25 =	simm.s32 $0x1B8E;
	s24 =	sld [smem:$0x3FFE];
	[sflag:s23] =	ssyncadd.s32 $0xFFFFFFFF  }
0xa6: {  	s26 =	simm.s32 $execute0_lowered;
	[smem:$0x3FD2] =	sst s25  }
0xa7: {  	s6 =	sshll.u32 s26, $0x1;
	_ =	strace $0x80000046;
	[dreg:$0x1] =	wrdreg $0xFFFFFFFF  }
0xa8: {  	s28 =	simm.s32 $_size_execute0_lowered;
	s4 =	sadd.s32 s4, s6;
	[dreg:$0x0] =	wrdreg $0x0  }
0xa9: {  	s6 =	sshll.u32 s28, $0x1;
	[dreg:$0x2] =	wrdreg s4  }
0xaa: {  	[dreg:$0x3] =	wrdreg s6  }
0xab: {  	[dreg:$0x4] =	wrdreg $0xC0  }
0xac: {  	_ =	task [dreg:s8], $0x5FFFF  }
0xad: {  	[dreg:$0x1] =	wrdreg $0xFFFFFFFF  }
0xae: {  	[dreg:$0x0] =	wrdreg $0x60  }
0xaf: {  	[dreg:$0x2] =	wrdreg s24  }
0xb0: {  	[dreg:$0x3] =	wrdreg s2  }
0xb1: {  	[dreg:$0x4] =	wrdreg s18  }
0xb2: {  	[dreg:$0x5] =	wrdreg $0xDC000  }
0xb3: {  	[dreg:$0x6] =	wrdreg $0x9  }
0xb4: {  	_ =	task.clear_ibuf [dreg:s8], $0x7FFFF;
	_ =	strace $0x90000046  }
0xb5: {  	s29 =	simm.s32 $0x9;
	_ =	strace $0x80000048  }
0xb6: {  	_ =	swait.ge [sflag:s29], $0x1  }
0xb7: {  	[sflag:s29] =	ssyncadd.s32 $0xFFFFFFFF  }
0xb8: {  	_ =	strace $0x90000048  }
0xb9: {  	_ =	sfence  }
0xba: {  	s30 =	sld [smem:$0x0];
	_ =	sdelay $0x2  }
0xbb: {  	s31 =	sshll.u32 s1, $0xD;
	s1 =	sshrl.u32 s1, $0x2  }
0xbc: {  	s3 =	sand.u32 $0x4000, s31;
	s1 =	sadd.s32 s1, s30  }
0xbd: {  	s0 =	sor.u32 s3, s0;
	s1 =	sshll.u32 s1, $0x11  }
0xbe: {  	s0 =	sor.u32 s1, s0  }
0xbf: {  	s0 =	sadd.s32 $0x8F2B, s0  }
0xc0: {  	[sflag:s0] =	ssyncadd.remote.s32 $0x1  }
0xc1: {  	_ =	sfence.sel $0xFFFF  }
0xc2: {  	[dreg:$0x0] =	wrdreg $0xFFFFFFFF;
	(pc) =	sbr.abs _section_cstart, $3  }
0xc3: {  	[dreg:$0x1] =	wrdreg $0xFFFFFFFF  }
0xc4: {  	_ =	task.clear_ibuf [dreg:s8], $0x2FFFF;
	_ =	strace $0x9FFFFFFF  }
0xc5: {  	(tm) =	ssettm $0x7FFFFFFF  }
tec
execute0_lowered:
.L_overlay_start_1:
0x0: {  	(tag) =	ssettag $0x1  }
0x1: {  	s4 =	rddreg [dreg:$0x0]  }
0x2: {  	s5 =	rddreg [dreg:$0x1]  }
0x3: {  	s1 =	rddreg [dreg:$0x2]  }
0x4: {  	s2 =	srdreg.scid;
	s0 =	stileid.u32  }
0x5: {  	s3 =	simm.s32 $0x0;
	s14 =	simm.s32 $0x5C00;
	[dreg:$0x5] =	wrdreg s1  }
0x6: {  	s15 =	simm.s32 $0x1;
	s6 =	sand.u32 $0x1, s2;
	s2 =	rddreg [dreg:$0x3]  }
0x7: {  	s16 =	simm.s32 $0x400;
	s17 =	simm.s32 $0x32000;
	s1 =	rddreg [dreg:$0x4]  }
0x8: {  	s18 =	simm.s32 $0x0;
	s26 =	sshll.u32 s0, $0x1;
	[smem:$0x7FF] =	sst s3  }
0x9: {  	s9 =	sshll.u32 s0, $0x10;
	s10 =	smul.u32 $0x3200, s0;
	s30 =	sshll.u32 s0, $0xD  }
0xa: {  	s12 =	sshll.u32 s0, $0x6;
	s13 =	smul.u32 $0x640, s0;
	s7 =	sor.u32 s6, s26  }
0xb: {  	_ =	strace $0x80000047;
	s28 =	ssub.s32 $0x2, s6;
	s29 =	smul.u32 $0x1900, s6  }
0xc: {  	s11 =	sadd.s32 s9, s2;
	s31 =	smul.u32 $0x320, s6;
	[dreg:$0x6] =	wrdreg s17  }
0xd: {  	s17 =	simm.s32 $0x2;
	s7 =	smul.u32 $0x380, s7;
	s8 =	sshrl.u32 s28, $0x1  }
0xe: {  	s8 =	ssub.s32 s28, s8;
	s9 =	sadd.s32 s31, s13;
	s13 =	simm.s32 $0x1C00  }
0xf: {  	s7 =	sadd.s32 s7, s4;
	s4 =	sadd.s32 s5, s30;
	s5 =	sor.u32 $0x1C03, s12  }
0x10: {  	s12 =	simm.s32 $0x80;
	s6 =	sadd.s32 $0x400, s7;
	s7 =	smax.u32 s8, $0x1  }
0x11: {  	s8 =	sadd.s32 s29, s10;
	s10 =	sshrl.u32 s11, $0x3;
	s11 =	simm.s32 $0x3  }
.LBB2_1:
0x12: {  	[spmem:s10], [sflag:s5] =	dma.local [hbm:s4], $0x2000  }
0x13: {  	s19 =	simm.s32 $0x0  }
0x14: {  	_ =	swait.ge [sflag:s11], $0x2000;
	s19 =	smul.u32 $0xAB, s19  }
0x15: {  	p0 =	por $0x0, $0x0;
	s21 =	sand.u32 $0x70, s9;
	[sflag:s11] =	ssyncset.done $0x0  }
0x16: {  	s22 =	sand.u32 $0x7FFFFC00, s8;
	[sflag:s11] =	ssyncadd.s32 $0xFFFFE000;
	s20 =	sshrl.u32 s19, $0x9  }
0x17: {  	[tilespmem:s3], [sflag:$0x3] =	stream.linear.gather [hbm4b:s6+s3], $0x1900, $0x38;
	[tilespmem:$0x1DC00] =	vst v63  }
0x18: {  	s21 =	smul.u32 $0x32000, s21;
	s20 =	sand.u32 $0x7F, s20;
	_ =	swait.ge [sflag:s11], $0x1900  }
0x19: {  	p1 =	por @!p0 $0x1, $0x1;
	s20 =	smul.u32 $0x3, s20;
	[sflag:s11] =	ssyncset.done $0x0  }
0x1a: {  	s24 =	smul.u32 @!p0 $0xAB, s17;
	p2 =	por p1, p0;
	[sflag:s11] =	ssyncadd.s32 $0xFFFFE700  }
0x1b: {  	s19 =	simm.s32 $0x100;
	s20 =	ssub.s32 $0x0, s20;
	[bflag:$0x0] =	sbarrier.arrive $0xFFFF  }
0x1c: {  	[tilespmem:s13], [sflag:$0x1] =	stream.indirect.gather [spmem:s2], $0x80, s3, s12, $0xb8;
	[tilespmem:$0x1DC00] =	vst v63  }
0x1d: {  	s21 =	sadd.s32 s22, s21;
	s24 =	sshrl.u32 @!p0 s24, $0x9;
	s20 =	sand.u32 $0xFF, s20  }
0x1e: {  	[tilespmem:s14], [sflag:$0x1] =	stream.indirect.gather [spmem:s2], $0x80, s12, s12, $0xb8;
	[tilespmem:$0x1DC00] =	vst v63  }
0x1f: {  	s22 =	sadd.s32 $0x10, s9;
	s20 =	sshll.u32 s20, $0xE;
	_ =	swait.ge [sflag:s15], $0x4000  }
0x20: {  	s21 =	sshrl.u32 s21, $0x3;
	s20 =	sor.u32 $0x1C00, s20;
	s23 =	rddreg [dreg:$0x5]  }
0x21: {  	[sflag:s15] =	ssyncset.done $0x0;
	s21 =	sadd.s32 s23, s21;
	s23 =	sand.u32 @!p0 $0x7F, s24  }
0x22: {  	s31 =	rddreg [dreg:$0x6];
	[sflag:s15] =	ssyncadd.s32 $0xFFFFC000;
	s23 =	smul.u32 @!p0 $0x3, s23  }
0x23: {  	[hbm4b:s21+s16] =	stream.strided.scatter [tilespmem:s20], [sflag:$0x2], $0x4000, s31, s16, $0x38;
	[tilespmem:$0x1DC00] =	vst v63  }
0x24: {  	s24 =	simm.s32 @!p2 $0x2;
	s20 =	simm.s32 $0x3;
	s21 =	simm.s32 $0x100  }
0x25: {  	_ =	swait.ge @!p2 [sflag:s24], $0x4000;
	s25 =	ssub.s32 @!p0 $0x2, s23;
	s23 =	sadd.s32 $0x80, s8  }
.LBB2_2:
0x26: {  	s25 =	sand.u32 @!p0 $0xFF, s25;
	s19 =	sadd.s32 $0x80, s19  }
0x27: {  	s26 =	smov.u32 s20;
	s20 =	sadd.s32 $0x1, s20;
	[sflag:s24] =	ssyncset.done @!p2 $0x0  }
0x28: {  	s28 =	simm.s32 @!p0 $0x80;
	s30 =	sand.u32 $0x70, s22;
	s22 =	sadd.s32 $0x10, s22  }
0x29: {  	s25 =	sshll.u32 @!p0 s25, $0xE;
	s29 =	sadd.s32 $0xFFFFFFFE, s26;
	[sflag:s24] =	ssyncadd.s32 @!p2 $0xFFFFC000  }
0x2a: {  	p1 =	sne.s32 s20, $0x34;
	s24 =	sor.u32 @!p0 $0x1C00, s25;
	s31 =	smul.u32 $0xAB, s29  }
0x2b: {  	[tilespmem:s24], [sflag:$0x1] =	stream.indirect.gather @!p0 [spmem:s2], $0x80, s21, s28, $0xb8;
	[tilespmem:$0x1DC00] =	vst v63  }
0x2c: {  	s25 =	smul.u32 $0x32000, s30;
	s21 =	smov.u32 s19;
	p0 =	sgt.u32 s29, $0x2F  }
0x2d: {  	s28 =	sshrl.u32 s31, $0x9;
	p2 =	seq.s32 @!p0 s26, $0x2;
	_ =	swait.ge [sflag:s15], $0x4000  }
0x2e: {  	s31 =	sand.u32 $0x7FFFFC00, s23;
	s30 =	smul.u32 @!p0 $0xAB, s26;
	s24 =	sand.u32 $0x7F, s28  }
0x2f: {  	s25 =	sadd.s32 s31, s25;
	s28 =	rddreg [dreg:$0x6];
	s24 =	smul.u32 $0x3, s24  }
0x30: {  	p2 =	por p2, p0;
	[sflag:s15] =	ssyncset.done $0x0;
	s25 =	sshrl.u32 s25, $0x3  }
0x31: {  	s30 =	sshrl.u32 @!p0 s30, $0x9;
	[sflag:s15] =	ssyncadd.s32 $0xFFFFC000;
	s24 =	ssub.s32 s29, s24  }
.Ltmp0:
0x32: {  	s29 =	rddreg [dreg:$0x5];
	s24 =	sand.u32 $0xFF, s24;
	(pc) =	sbr.rel @p1 .LBB2_2-.Ltmp0, $4  }
0x33: {  	s25 =	sadd.s32 s29, s25;
	s29 =	sand.u32 @!p0 $0x7F, s30;
	s24 =	sshll.u32 s24, $0xE  }
0x34: {  	s29 =	smul.u32 @!p0 $0x3, s29;
	s31 =	sor.u32 $0x1C00, s24;
	s24 =	simm.s32 @!p2 $0x2  }
0x35: {  	[hbm4b:s25+s16] =	stream.strided.scatter [tilespmem:s31], [sflag:$0x2], $0x4000, s28, s16, $0x38;
	[tilespmem:$0x1DC00] =	vst v63  }
0x36: {  	s23 =	sadd.s32 $0x80, s23;
	s25 =	ssub.s32 @!p0 s26, s29;
	_ =	swait.ge @!p2 [sflag:s24], $0x4000  }
0x37: {  	s19 =	sand.u32 @!p0 $0xFF, s25  }
0x38: {  	[sflag:s24] =	ssyncset.done @!p2 $0x0;
	s19 =	sshll.u32 @!p0 s19, $0xE  }
0x39: {  	s20 =	simm.s32 @!p0 $0x80;
	[sflag:s24] =	ssyncadd.s32 @!p2 $0xFFFFC000;
	s19 =	sor.u32 @!p0 $0x1C00, s19  }
0x3a: {  	[tilespmem:s19], [sflag:$0x1] =	stream.indirect.gather @!p0 [spmem:s2], $0x80, s21, s20, $0xb8;
	[tilespmem:$0x1DC00] =	vst v63  }
0x3b: {  	_ =	swait.ge [sflag:s17], $0x4000  }
0x3c: {  	[sflag:s17] =	ssyncset.done $0x0  }
0x3d: {  	s18 =	sadd.s32 $0x1, s18;
	[sflag:s17] =	ssyncadd.s32 $0xFFFFC000  }
0x3e: {  	p0 =	sne.s32 s18, s7;
	_ =	swait.ge [sflag:s17], $0x4000  }
.Ltmp1:
0x3f: {  	[sflag:s17] =	ssyncset.done $0x0;
	(pc) =	sbr.rel @p0 .LBB2_1-.Ltmp1, $4  }
0x40: {  	[sflag:s17] =	ssyncadd.s32 $0xFFFFC000  }
0x41: {  	_ =	swait.ge [sflag:s17], $0x4000  }
0x42: {  	[sflag:s17] =	ssyncset.done $0x0  }
0x43: {  	[sflag:s17] =	ssyncadd.s32 $0xFFFFC000  }
0x44: {  	_ =	sfence.sel $0x180000  }
0x45: {  	[bflag:$0x0] =	sbarrier.arrive $0xFFFF  }
0x46: {  	p0 =	sne.s32 s0, $0x0;
	_ =	strace $0x90000047  }
0x47: {  	s0 =	sadd.s32 @!p0 $0x100000, s1;
	[bflag:$0x2] =	sbarrier.arrive $0xFFFF  }
0x48: {  	[sflag:s0] =	ssyncadd.tile.s32 @!p0 $0x1;
	_ =	shalt  }
.Lfunc_end2:
_tile_overlayer_lowered:
.L_overlay_start_2:
0x49: {  	(tag) =	ssettag $0x2  }
0x4a: {  	s0 =	rddreg [dreg:$0x0];
	s2 =	stileid.u32  }
0x4b: {  	s1 =	rddreg [dreg:$0x1];
	p0 =	sne.s32 s2, $0x0  }
0x4c: {  	s3 =	rddreg [dreg:$0x2];
	[bflag:$0x3] =	sbarrier.arrive $0xFFFF;
	s2 =	simm.s32 @!p0 $0x1C03  }
0x4d: {  	[timem:s3], [sflag:s2] =	dma.local @!p0 [hbm:s0], s1  }
0x4e: {  	s0 =	simm.s32 @!p0 $0x3  }
0x4f: {  	_ =	swait.ge @!p0 [sflag:s0], s1  }
0x50: {  	s1 =	ssub.s32 @!p0 $0x0, s1;
	[sflag:s0] =	ssyncset.done @!p0 $0x0  }
0x51: {  	[sflag:s0] =	ssyncadd.s32 @!p0 s1  }
0x52: {  	[bflag:$0x3] =	sbarrier.arrive $0xFFFF  }
0x53: {  	_ =	shalt  }

</sc_bundles>
